<compile_context>
chip_gen: v7x
topology: tpu7x:2x2x1
jax: 0.10.2.dev20260603
libtpu: 0.0.44.dev20260713+nightly
codegen_flags: <defaults>
</compile_context>

<pallas_src>
import functools

import jax
import jax.numpy as jnp
from jax import lax
from jax.experimental import pallas as pl
from jax.experimental.pallas import tpu as pltpu
from jax.experimental.pallas import tpu_sc as plsc

N = 4096
EDIM = 128
WFEAT = 128
SLOPE = 0.01
RBLK = 256
NBLK = N // RBLK
NEG = -1e9


def _make_sc_gather(V, D, B):
    info = plsc.get_sparse_core_info()
    NC, NS = info.num_cores, info.num_subcores
    NW = NC * NS
    assert B % (8 * NW) == 0 and D % info.num_lanes == 0
    b_per_w = B // NW
    mesh = plsc.VectorSubcoreMesh(core_axis_name="c", subcore_axis_name="s")

    @functools.partial(
        pl.kernel,
        mesh=mesh,
        out_type=jax.ShapeDtypeStruct((B, D), jnp.float32),
        scratch_types=[
            pltpu.VMEM((b_per_w,), jnp.int32),
            pltpu.VMEM((b_per_w, D), jnp.float32),
            pltpu.SemaphoreType.DMA,
        ],
    )
    def gather_k(idx_hbm, table_hbm, out_hbm, idx_v, rows_v, sem):
        wid = lax.axis_index("s") * NC + lax.axis_index("c")
        base = wid * b_per_w
        pltpu.sync_copy(idx_hbm.at[pl.ds(base, b_per_w)], idx_v)
        pltpu.async_copy(table_hbm.at[idx_v], rows_v, sem).wait()
        pltpu.sync_copy(rows_v, out_hbm.at[pl.ds(base, b_per_w)])

    return gather_k


@functools.lru_cache(maxsize=1)
def _sc_gather_fn():
    return _make_sc_gather(100000, EDIM, N)


def _sc_gather(idx, table):
    return _sc_gather_fn()(idx, table)


def _project(x, w_ref, a1_ref, a2_ref, h_sc, f1_sc, f2_sc):
    h = jnp.dot(x, w_ref[...], preferred_element_type=jnp.float32)
    h_sc[...] = h
    f1_sc[...] = jnp.dot(h, a1_ref[...], preferred_element_type=jnp.float32)
    f2_sc[...] = lax.dot_general(
        a2_ref[...], h, (((1,), (1,)), ((), ())),
        preferred_element_type=jnp.float32)


def _att_scores(adj, f1, f2row):
    s = f1 + f2row
    e = jnp.where(s >= 0, s, SLOPE * s)
    p = jnp.exp(jnp.where(adj.astype(jnp.int32) != 0, e, NEG))
    return p / jnp.sum(p, axis=1, keepdims=True)


def _elu(x):
    return jnp.where(x > 0, x, (jnp.exp(x) - 1.0))


def _body(x_ref, ws_ref, a1s_ref, a2s_ref, wd_ref, a1d_ref, a2d_ref, adj_ref,
          satt_ref, datt_ref, dsum_ref, h_sc, f1_sc, f2_sc, x2_sc):
    i = pl.program_id(0)

    @pl.when(i == 0)
    def _():
        _project(x_ref[...], ws_ref, a1s_ref, a2s_ref, h_sc, f1_sc, f2_sc)

    @pl.when(i == NBLK)
    def _():
        _project(x2_sc[...], wd_ref, a1d_ref, a2d_ref, h_sc, f1_sc, f2_sc)

    j = jnp.where(i < NBLK, i, i - NBLK)
    f1 = f1_sc[pl.ds(j * RBLK, RBLK), :]
    att = _att_scores(adj_ref[...], f1, f2_sc[...])
    out = jnp.dot(att.astype(jnp.bfloat16), h_sc[...].astype(jnp.bfloat16),
                  preferred_element_type=jnp.float32)

    @pl.when(i < NBLK)
    def _():
        satt_ref[...] = att
        x2_sc[pl.ds(i * RBLK, RBLK), :] = _elu(out)

    @pl.when(i >= NBLK)
    def _():
        datt_ref[...] = att

    doc = _elu(out) + x2_sc[pl.ds(j * RBLK, RBLK), :]
    part = jnp.sum(doc, axis=0, keepdims=True)

    @pl.when(i == NBLK)
    def _():
        dsum_ref[...] = part

    @pl.when(i > NBLK)
    def _():
        dsum_ref[...] += part


def _gat_both(x, W_s, a1s, a2s, W_d, a1d, a2d, adjc):
    full = lambda shape: pl.BlockSpec(shape, lambda i: (0, 0))
    return pl.pallas_call(
        _body,
        grid=(2 * NBLK,),
        in_specs=[
            full((N, WFEAT)),
            full((WFEAT, WFEAT)), full((WFEAT, 1)), full((1, WFEAT)),
            full((WFEAT, WFEAT)), full((WFEAT, 1)), full((1, WFEAT)),
            pl.BlockSpec((RBLK, N), lambda i: (i, 0)),
        ],
        out_specs=(
            pl.BlockSpec((RBLK, N), lambda i: (jnp.minimum(i, NBLK - 1), 0)),
            pl.BlockSpec((RBLK, N), lambda i: (jnp.maximum(i - NBLK, 0), 0)),
            pl.BlockSpec((1, WFEAT), lambda i: (0, 0)),
        ),
        out_shape=(
            jax.ShapeDtypeStruct((N, N), jnp.float32),
            jax.ShapeDtypeStruct((N, N), jnp.float32),
            jax.ShapeDtypeStruct((1, WFEAT), jnp.float32),
        ),
        scratch_shapes=[
            pltpu.VMEM((N, WFEAT), jnp.float32),
            pltpu.VMEM((N, 1), jnp.float32),
            pltpu.VMEM((1, N), jnp.float32),
            pltpu.VMEM((N, WFEAT), jnp.float32),
        ],
        compiler_params=pltpu.CompilerParams(
            dimension_semantics=("arbitrary",)),
    )(x, W_s, a1s, a2s, W_d, a1d, a2d, adjc)


def kernel(inDoc, adj0, adj1, emb, W_s, a_s, W_d, a_d):
    words = _sc_gather(inDoc.astype(jnp.int32), emb)
    adjc = jnp.concatenate([adj0, adj1], axis=0).astype(jnp.int4)

    satt, datt, dsum = _gat_both(
        words,
        W_s, a_s[:WFEAT].reshape(WFEAT, 1), a_s[WFEAT:].reshape(1, WFEAT),
        W_d, a_d[:WFEAT].reshape(WFEAT, 1), a_d[WFEAT:].reshape(1, WFEAT),
        adjc)

    docMean = (dsum / jnp.float32(N)).reshape(WFEAT)
    return (docMean, satt, datt)

# --- scband reference (transcript-rebuilt; emitter-appended) ---
"""Pipeline reference for scband-article2-graph-11630771437813 (READ-ONLY COPY).

The authoritative reference and input builder live on the scoring server;
editing this copy changes nothing except your own understanding.
"""

import jax, jax.numpy as jnp
import numpy as np

N = 4096
VOCAB = 100000
EDIM = 128
WFEAT = 128
SLOPE = 0.01


def _leaky_relu(x, slope):
    return jnp.where(x >= 0, x, slope * x)


def _gat_layer(x, adj, W, a, slope):
    # Standard single-head GAT layer with dense adjacency mask.
    h = x @ W                      # [N, out]
    out_dim = W.shape[1]
    a1 = a[:out_dim]
    a2 = a[out_dim:]
    f1 = h @ a1                    # [N]
    f2 = h @ a2                    # [N]
    e = _leaky_relu(f1[:, None] + f2[None, :], slope)   # [N, N]
    e = jnp.where(adj, e, jnp.float32(-1e9))
    att = jax.nn.softmax(e, axis=1)                     # [N, N]
    out = att @ h                                       # [N, out]
    return jax.nn.elu(out), att


def setup_inputs(seed: int = 0) -> dict:
    key = jax.random.key(seed)
    ks = jax.random.split(key, 8)
    inDoc = jax.random.randint(ks[0], (N,), 0, VOCAB, dtype=jnp.int64 if jax.config.jax_enable_x64 else jnp.int32)
    # sparse binary adjacency (~2% density) with self-loops so every softmax row is valid
    eye = jnp.eye(N, dtype=bool)
    adj0 = jax.random.bernoulli(ks[1], 0.02, (N, N)) | eye
    adj1 = jax.random.bernoulli(ks[2], 0.02, (N, N)) | eye
    emb = jax.random.normal(ks[3], (VOCAB, EDIM), dtype=jnp.float32) * 0.02
    W_s = jax.random.normal(ks[4], (EDIM, WFEAT), dtype=jnp.float32) * (1.0 / np.sqrt(EDIM))
    a_s = jax.random.normal(ks[5], (2 * WFEAT,), dtype=jnp.float32) * 0.1
    W_d = jax.random.normal(ks[6], (WFEAT, WFEAT), dtype=jnp.float32) * (1.0 / np.sqrt(WFEAT))
    a_d = jax.random.normal(ks[7], (2 * WFEAT,), dtype=jnp.float32) * 0.1
    return {"inDoc": inDoc, "adj0": adj0, "adj1": adj1,
            "emb": emb, "W_s": W_s, "a_s": a_s, "W_d": W_d, "a_d": a_d}


def reference(inDoc, adj0, adj1, emb, W_s, a_s, W_d, a_d):
    words = jnp.take(emb, inDoc, axis=0)                # embedding lookup [N, EDIM]
    words, sattention = _gat_layer(words, adj0, W_s, a_s, SLOPE)   # sentence-level GAT
    document, dattention = _gat_layer(words, adj1, W_d, a_d, SLOPE)  # doc-level GAT
    document = document + words                          # residual
    docMean = jnp.mean(document, axis=0)                 # [WFEAT]
    return (docMean, sattention, dattention)

if __name__ == "__main__":
    import jax
    _d = setup_inputs()
    print(jax.jit(kernel)(*tuple(_d.values())))

</pallas_src>

<mosaic_0001>
#map = affine_map<(d0, d1) -> (0)>
#map1 = affine_map<(d0, d1) -> (0, 0)>
module attributes {stable_mosaic.version = 14 : i64} {
  func.func @gather_k(%arg0: i32, %arg1: i32, %arg2: memref<4096xi32, #tpu.memory_space<hbm>>, %arg3: memref<100000x128xf32, #tpu.memory_space<hbm>>, %arg4: memref<4096x128xf32, #tpu.memory_space<hbm>>, %arg5: memref<128xi32, #tpu.memory_space<vmem>>, %arg6: memref<128x128xf32, #tpu.memory_space<vmem>>, %arg7: memref<!tpu.dma_semaphore, #tpu.memory_space<semaphore_mem>>) attributes {dimension_semantics = [#tpu.dimension_semantics<core_parallel>, #tpu.dimension_semantics<subcore_parallel>], iteration_bounds = array<i64: 2, 16>, scalar_prefetch = 0 : i64, scratch_operands = 3 : i64, tpu.core_type = #tpu.core_type<sc_vector_subcore>, window_params = [{transform_indices = #map}, {transform_indices = #map1}, {transform_indices = #map1}]} {
    %mul3A = arith.constant 2 : i32
    %mul3A_0 = arith.muli %arg1, %mul3A : i32
    %add3A = arith.addi %mul3A_0, %arg0 : i32
    %mul3A_1 = arith.constant 128 : i32
    %mul3A_2 = arith.muli %add3A, %mul3A_1 : i32
    "tpu.region"() ({
      %run_scoped3A = tpu.sem_alloc : memref<!tpu.dma_semaphore, #tpu.memory_space<semaphore_mem>>
      %dma_start3A_7 = tpu.memref_slice %arg2[%mul3A_2] : memref<4096xi32, #tpu.memory_space<hbm>> -> memref<128xi32, #tpu.memory_space<hbm>>
      %dma_start3A_8 = tpu.memref_slice %arg2[%mul3A_2] : memref<4096xi32, #tpu.memory_space<hbm>> -> memref<128xi32, #tpu.memory_space<hbm>>
      tpu.enqueue_dma source(%dma_start3A_8 : memref<128xi32, #tpu.memory_space<hbm>>) target(%arg5 : memref<128xi32, #tpu.memory_space<vmem>>) target_semaphore(%run_scoped3A : memref<!tpu.dma_semaphore, #tpu.memory_space<semaphore_mem>>)
      %dma_wait3A_9 = tpu.memref_slice %arg2[%mul3A_2] : memref<4096xi32, #tpu.memory_space<hbm>> -> memref<128xi32, #tpu.memory_space<hbm>>
      %dma_wait3A_10 = tpu.memref_slice %arg2[%mul3A_2] : memref<4096xi32, #tpu.memory_space<hbm>> -> memref<128xi32, #tpu.memory_space<hbm>>
      tpu.wait_dma2 semaphore(%run_scoped3A : memref<!tpu.dma_semaphore, #tpu.memory_space<semaphore_mem>>) src(%dma_wait3A_10 : memref<128xi32, #tpu.memory_space<hbm>>) dst(%arg5 : memref<128xi32, #tpu.memory_space<vmem>>)
      tpu.yield
    }) : () -> ()
    %dma_start3A = arith.constant 0 : i32
    %dma_start3A_3 = arith.constant 0 : i32
    %dma_start3A_4 = tpu.memref_slice %arg3[%dma_start3A, %dma_start3A_3] : memref<100000x128xf32, #tpu.memory_space<hbm>> -> memref<100000x128xf32, #tpu.memory_space<hbm>>
    tpu.enqueue_indirect_dma source(%dma_start3A_4 : memref<100000x128xf32, #tpu.memory_space<hbm>>) target(%arg6 : memref<128x128xf32, #tpu.memory_space<vmem>>) offsets(%arg5 : memref<128xi32, #tpu.memory_space<vmem>>) semaphore(%arg7 : memref<!tpu.dma_semaphore, #tpu.memory_space<semaphore_mem>>)
    %dma_wait3A = arith.constant 0 : i32
    %dma_wait3A_5 = arith.constant 0 : i32
    %dma_wait3A_6 = tpu.memref_slice %arg3[%dma_wait3A, %dma_wait3A_5] : memref<100000x128xf32, #tpu.memory_space<hbm>> -> memref<100000x128xf32, #tpu.memory_space<hbm>>
    tpu.wait_indirect_dma semaphore(%arg7 : memref<!tpu.dma_semaphore, #tpu.memory_space<semaphore_mem>>) src(%dma_wait3A_6 : memref<100000x128xf32, #tpu.memory_space<hbm>>) dst(%arg6 : memref<128x128xf32, #tpu.memory_space<vmem>>)
    "tpu.region"() ({
      %run_scoped3A = tpu.sem_alloc : memref<!tpu.dma_semaphore, #tpu.memory_space<semaphore_mem>>
      %dma_start3A_7 = arith.constant 0 : i32
      %dma_start3A_8 = tpu.memref_slice %arg4[%mul3A_2, %dma_start3A_7] : memref<4096x128xf32, #tpu.memory_space<hbm>> -> memref<128x128xf32, #tpu.memory_space<hbm>>
      %dma_start3A_9 = arith.constant 0 : i32
      %dma_start3A_10 = tpu.memref_slice %arg4[%mul3A_2, %dma_start3A_9] : memref<4096x128xf32, #tpu.memory_space<hbm>> -> memref<128x128xf32, #tpu.memory_space<hbm>>
      tpu.enqueue_dma source(%arg6 : memref<128x128xf32, #tpu.memory_space<vmem>>) target(%dma_start3A_10 : memref<128x128xf32, #tpu.memory_space<hbm>>) target_semaphore(%run_scoped3A : memref<!tpu.dma_semaphore, #tpu.memory_space<semaphore_mem>>)
      %dma_wait3A_11 = arith.constant 0 : i32
      %dma_wait3A_12 = tpu.memref_slice %arg4[%mul3A_2, %dma_wait3A_11] : memref<4096x128xf32, #tpu.memory_space<hbm>> -> memref<128x128xf32, #tpu.memory_space<hbm>>
      %dma_wait3A_13 = arith.constant 0 : i32
      %dma_wait3A_14 = tpu.memref_slice %arg4[%mul3A_2, %dma_wait3A_13] : memref<4096x128xf32, #tpu.memory_space<hbm>> -> memref<128x128xf32, #tpu.memory_space<hbm>>
      tpu.wait_dma2 semaphore(%run_scoped3A : memref<!tpu.dma_semaphore, #tpu.memory_space<semaphore_mem>>) src(%arg6 : memref<128x128xf32, #tpu.memory_space<vmem>>) dst(%dma_wait3A_14 : memref<128x128xf32, #tpu.memory_space<hbm>>)
      tpu.yield
    }) : () -> ()
    return
  }
}

module attributes {stable_mosaic.version = 14 : i64} {
  func.func @_body(%arg0: i32, %arg1: memref<4096x128xf32, #tpu.memory_space<vmem>>, %arg2: memref<128x128xf32, #tpu.memory_space<vmem>>, %arg3: memref<128x1xf32, #tpu.memory_space<vmem>>, %arg4: memref<1x128xf32, #tpu.memory_space<vmem>>, %arg5: memref<128x128xf32, #tpu.memory_space<vmem>>, %arg6: memref<128x1xf32, #tpu.memory_space<vmem>>, %arg7: memref<1x128xf32, #tpu.memory_space<vmem>>, %arg8: memref<256x4096xi4, #tpu.memory_space<vmem>>, %arg9: memref<256x4096xf32, #tpu.memory_space<vmem>>, %arg10: memref<256x4096xf32, #tpu.memory_space<vmem>>, %arg11: memref<1x128xf32, #tpu.memory_space<vmem>>, %arg12: memref<4096x128xf32, #tpu.memory_space<vmem>>, %arg13: memref<4096x1xf32, #tpu.memory_space<vmem>>, %arg14: memref<1x4096xf32, #tpu.memory_space<vmem>>, %arg15: memref<4096x128xf32, #tpu.memory_space<vmem>>) attributes {dimension_semantics = [#tpu.dimension_semantics<arbitrary>], iteration_bounds = array<i64: 32>, scalar_prefetch = 0 : i64, scratch_operands = 4 : i64, tpu.core_type = #tpu.core_type<tc>, window_params = [{pipeline_mode = #tpu.pipeline_mode<synchronous>, transform_indices = @transform_0, window_bounds = array<i64: 4096, 128>}, {pipeline_mode = #tpu.pipeline_mode<synchronous>, transform_indices = @transform_1, window_bounds = array<i64: 128, 128>}, {pipeline_mode = #tpu.pipeline_mode<synchronous>, transform_indices = @transform_2, window_bounds = array<i64: 128, 1>}, {pipeline_mode = #tpu.pipeline_mode<synchronous>, transform_indices = @transform_3, window_bounds = array<i64: 1, 128>}, {pipeline_mode = #tpu.pipeline_mode<synchronous>, transform_indices = @transform_4, window_bounds = array<i64: 128, 128>}, {pipeline_mode = #tpu.pipeline_mode<synchronous>, transform_indices = @transform_5, window_bounds = array<i64: 128, 1>}, {pipeline_mode = #tpu.pipeline_mode<synchronous>, transform_indices = @transform_6, window_bounds = array<i64: 1, 128>}, {transform_indices = @transform_7, window_bounds = array<i64: 256, 4096>}, {transform_indices = @transform_8, window_bounds = array<i64: 256, 4096>}, {transform_indices = @transform_9, window_bounds = array<i64: 256, 4096>}, {pipeline_mode = #tpu.pipeline_mode<synchronous>, transform_indices = @transform_10, window_bounds = array<i64: 1, 128>}]} {
    %eq3A = arith.constant 0 : i32
    %eq3A_0 = arith.cmpi eq, %arg0, %eq3A : i32
    %convert_element_type3A = arith.extui %eq3A_0 : i1 to i32
    %cond3A = arith.constant 0 : i32
    %cond3A_1 = arith.cmpi ne, %convert_element_type3A, %cond3A : i32
    scf.if %cond3A_1 {
      %get3A_75 = arith.constant 0 : index
      %get3A_76 = arith.constant 0 : index
      %get3A_77 = vector.load %arg1[%get3A_75, %get3A_76] : memref<4096x128xf32, #tpu.memory_space<vmem>>, vector<4096x128xf32>
      %get3A_78 = arith.constant 0 : index
      %get3A_79 = arith.constant 0 : index
      %get3A_80 = vector.load %arg2[%get3A_78, %get3A_79] : memref<128x128xf32, #tpu.memory_space<vmem>>, vector<128x128xf32>
      %dot_general3A_81 = arith.constant dense<0.000000e+00> : vector<4096x128xf32>
      %dot_general3A_82 = tpu.matmul %get3A_77, %get3A_80, %dot_general3A_81 {dimension_numbers = #tpu.dot_dimension_numbers<[1], [0], [0], [1], [0, 0, 1, 1], [], []>, transpose_lhs_hint = false} : vector<4096x128xf32>, vector<128x128xf32>, vector<4096x128xf32> -> vector<4096x128xf32>
      %swap3A = arith.constant 0 : index
      %swap3A_83 = arith.constant 0 : index
      %swap3A_84 = vector.load %arg12[%swap3A, %swap3A_83] : memref<4096x128xf32, #tpu.memory_space<vmem>>, vector<4096x128xf32>
      tpu.vector_store %arg12[%swap3A, %swap3A_83], %dot_general3A_82 {strides = array<i32>} : memref<4096x128xf32, #tpu.memory_space<vmem>>, vector<4096x128xf32>,
      %get3A_85 = arith.constant 0 : index
      %get3A_86 = arith.constant 0 : index
      %get3A_87 = vector.load %arg3[%get3A_85, %get3A_86] : memref<128x1xf32, #tpu.memory_space<vmem>>, vector<128x1xf32>
      %dot_general3A_88 = arith.constant dense<0.000000e+00> : vector<4096x1xf32>
      %dot_general3A_89 = tpu.matmul %dot_general3A_82, %get3A_87, %dot_general3A_88 {dimension_numbers = #tpu.dot_dimension_numbers<[1], [0], [0], [1], [0, 0, 1, 1], [], []>, transpose_lhs_hint = false} : vector<4096x128xf32>, vector<128x1xf32>, vector<4096x1xf32> -> vector<4096x1xf32>
      %swap3A_90 = arith.constant 0 : index
      %swap3A_91 = arith.constant 0 : index
      %swap3A_92 = vector.load %arg13[%swap3A_90, %swap3A_91] : memref<4096x1xf32, #tpu.memory_space<vmem>>, vector<4096x1xf32>
      tpu.vector_store %arg13[%swap3A_90, %swap3A_91], %dot_general3A_89 {strides = array<i32>} : memref<4096x1xf32, #tpu.memory_space<vmem>>, vector<4096x1xf32>,
      %get3A_93 = arith.constant 0 : index
      %get3A_94 = arith.constant 0 : index
      %get3A_95 = vector.load %arg4[%get3A_93, %get3A_94] : memref<1x128xf32, #tpu.memory_space<vmem>>, vector<1x128xf32>
      %dot_general3A_96 = arith.constant dense<0.000000e+00> : vector<1x4096xf32>
      %dot_general3A_97 = tpu.matmul %get3A_95, %dot_general3A_82, %dot_general3A_96 {dimension_numbers = #tpu.dot_dimension_numbers<[1], [1], [0], [0], [0, 0, 1, 0], [], []>, transpose_lhs_hint = false} : vector<1x128xf32>, vector<4096x128xf32>, vector<1x4096xf32> -> vector<1x4096xf32>
      %swap3A_98 = arith.constant 0 : index
      %swap3A_99 = arith.constant 0 : index
      %swap3A_100 = vector.load %arg14[%swap3A_98, %swap3A_99] : memref<1x4096xf32, #tpu.memory_space<vmem>>, vector<1x4096xf32>
      tpu.vector_store %arg14[%swap3A_98, %swap3A_99], %dot_general3A_97 {strides = array<i32>} : memref<1x4096xf32, #tpu.memory_space<vmem>>, vector<1x4096xf32>,
    } else {
    }
    %eq3A_2 = arith.constant 16 : i32
    %eq3A_3 = arith.cmpi eq, %arg0, %eq3A_2 : i32
    %convert_element_type3A_4 = arith.extui %eq3A_3 : i1 to i32
    %cond3A_5 = arith.constant 0 : i32
    %cond3A_6 = arith.cmpi ne, %convert_element_type3A_4, %cond3A_5 : i32
    scf.if %cond3A_6 {
      %get3A_75 = arith.constant 0 : index
      %get3A_76 = arith.constant 0 : index
      %get3A_77 = vector.load %arg15[%get3A_75, %get3A_76] : memref<4096x128xf32, #tpu.memory_space<vmem>>, vector<4096x128xf32>
      %get3A_78 = arith.constant 0 : index
      %get3A_79 = arith.constant 0 : index
      %get3A_80 = vector.load %arg5[%get3A_78, %get3A_79] : memref<128x128xf32, #tpu.memory_space<vmem>>, vector<128x128xf32>
      %dot_general3A_81 = arith.constant dense<0.000000e+00> : vector<4096x128xf32>
      %dot_general3A_82 = tpu.matmul %get3A_77, %get3A_80, %dot_general3A_81 {dimension_numbers = #tpu.dot_dimension_numbers<[1], [0], [0], [1], [0, 0, 1, 1], [], []>, transpose_lhs_hint = false} : vector<4096x128xf32>, vector<128x128xf32>, vector<4096x128xf32> -> vector<4096x128xf32>
      %swap3A = arith.constant 0 : index
      %swap3A_83 = arith.constant 0 : index
      %swap3A_84 = vector.load %arg12[%swap3A, %swap3A_83] : memref<4096x128xf32, #tpu.memory_space<vmem>>, vector<4096x128xf32>
      tpu.vector_store %arg12[%swap3A, %swap3A_83], %dot_general3A_82 {strides = array<i32>} : memref<4096x128xf32, #tpu.memory_space<vmem>>, vector<4096x128xf32>,
      %get3A_85 = arith.constant 0 : index
      %get3A_86 = arith.constant 0 : index
      %get3A_87 = vector.load %arg6[%get3A_85, %get3A_86] : memref<128x1xf32, #tpu.memory_space<vmem>>, vector<128x1xf32>
      %dot_general3A_88 = arith.constant dense<0.000000e+00> : vector<4096x1xf32>
      %dot_general3A_89 = tpu.matmul %dot_general3A_82, %get3A_87, %dot_general3A_88 {dimension_numbers = #tpu.dot_dimension_numbers<[1], [0], [0], [1], [0, 0, 1, 1], [], []>, transpose_lhs_hint = false} : vector<4096x128xf32>, vector<128x1xf32>, vector<4096x1xf32> -> vector<4096x1xf32>
      %swap3A_90 = arith.constant 0 : index
      %swap3A_91 = arith.constant 0 : index
      %swap3A_92 = vector.load %arg13[%swap3A_90, %swap3A_91] : memref<4096x1xf32, #tpu.memory_space<vmem>>, vector<4096x1xf32>
      tpu.vector_store %arg13[%swap3A_90, %swap3A_91], %dot_general3A_89 {strides = array<i32>} : memref<4096x1xf32, #tpu.memory_space<vmem>>, vector<4096x1xf32>,
      %get3A_93 = arith.constant 0 : index
      %get3A_94 = arith.constant 0 : index
      %get3A_95 = vector.load %arg7[%get3A_93, %get3A_94] : memref<1x128xf32, #tpu.memory_space<vmem>>, vector<1x128xf32>
      %dot_general3A_96 = arith.constant dense<0.000000e+00> : vector<1x4096xf32>
      %dot_general3A_97 = tpu.matmul %get3A_95, %dot_general3A_82, %dot_general3A_96 {dimension_numbers = #tpu.dot_dimension_numbers<[1], [1], [0], [0], [0, 0, 1, 0], [], []>, transpose_lhs_hint = false} : vector<1x128xf32>, vector<4096x128xf32>, vector<1x4096xf32> -> vector<1x4096xf32>
      %swap3A_98 = arith.constant 0 : index
      %swap3A_99 = arith.constant 0 : index
      %swap3A_100 = vector.load %arg14[%swap3A_98, %swap3A_99] : memref<1x4096xf32, #tpu.memory_space<vmem>>, vector<1x4096xf32>
      tpu.vector_store %arg14[%swap3A_98, %swap3A_99], %dot_general3A_97 {strides = array<i32>} : memref<1x4096xf32, #tpu.memory_space<vmem>>, vector<1x4096xf32>,
    } else {
    }
    %lt3A = arith.constant 16 : i32
    %lt3A_7 = arith.cmpi slt, %arg0, %lt3A : i32
    %sub3A = arith.constant 16 : i32
    %sub3A_8 = arith.subi %arg0, %sub3A : i32
    %select_n3A = arith.select %lt3A_7, %arg0, %sub3A_8 : i32
    %mul3A = arith.constant 256 : i32
    %mul3A_9 = arith.muli %select_n3A, %mul3A : i32
    %get3A = arith.index_cast %mul3A_9 : i32 to index
    %get3A_10 = arith.constant 0 : index
    %get3A_11 = vector.load %arg13[%get3A, %get3A_10] : memref<4096x1xf32, #tpu.memory_space<vmem>>, vector<256x1xf32>
    %get3A_12 = arith.constant 0 : index
    %get3A_13 = arith.constant 0 : index
    %get3A_14 = vector.load %arg8[%get3A_12, %get3A_13] : memref<256x4096xi4, #tpu.memory_space<vmem>>, vector<256x4096xi4>
    %get3A_15 = arith.constant 0 : index
    %get3A_16 = arith.constant 0 : index
    %get3A_17 = vector.load %arg14[%get3A_15, %get3A_16] : memref<1x4096xf32, #tpu.memory_space<vmem>>, vector<1x4096xf32>
    %add3A = vector.broadcast %get3A_11 : vector<256x1xf32> to vector<256x4096xf32>
    %add3A_18 = vector.broadcast %get3A_17 : vector<1x4096xf32> to vector<256x4096xf32>
    %add3A_19 = arith.addf %add3A, %add3A_18 : vector<256x4096xf32>
    %ge3A = arith.constant 0.000000e+00 : f32
    %ge3A_20 = vector.broadcast %ge3A : f32 to vector<256x4096xf32>
    %ge3A_21 = arith.cmpf oge, %add3A_19, %ge3A_20 : vector<256x4096xf32>
    %mul3A_22 = arith.constant 0.00999999977 : f32
    %mul3A_23 = vector.broadcast %mul3A_22 : f32 to vector<256x4096xf32>
    %mul3A_24 = arith.mulf %mul3A_23, %add3A_19 : vector<256x4096xf32>
    %select_n3A_25 = arith.select %ge3A_21, %add3A_19, %mul3A_24 : vector<256x4096xi1>, vector<256x4096xf32>
    %convert_element_type3A_26 = arith.extsi %get3A_14 : vector<256x4096xi4> to vector<256x4096xi32>
    %ne3A = arith.constant 0 : i32
    %ne3A_27 = vector.broadcast %ne3A : i32 to vector<256x4096xi32>
    %ne3A_28 = arith.cmpi ne, %convert_element_type3A_26, %ne3A_27 : vector<256x4096xi32>
    %jit3A = arith.constant -1.000000e+09 : f32
    %broadcast_in_dim3A = vector.broadcast %jit3A : f32 to vector<256x4096xf32>
    %select_n3A_29 = arith.select %ne3A_28, %select_n3A_25, %broadcast_in_dim3A : vector<256x4096xi1>, vector<256x4096xf32>
    %exp3A = math.exp %select_n3A_29 : vector<256x4096xf32>
    %reduce_sum3A = arith.constant dense<0.000000e+00> : vector<256xf32>
    %reduce_sum3A_30 = vector.multi_reduction <add>, %exp3A, %reduce_sum3A [1] : vector<256x4096xf32> to vector<256xf32>
    %broadcast_in_dim3A_31 = vector.shape_cast %reduce_sum3A_30 : vector<256xf32> to vector<256x1xf32>
    %div3A = vector.broadcast %broadcast_in_dim3A_31 : vector<256x1xf32> to vector<256x4096xf32>
    %div3A_32 = arith.divf %exp3A, %div3A : vector<256x4096xf32>
    %convert_element_type3A_33 = arith.truncf %div3A_32 : vector<256x4096xf32> to vector<256x4096xbf16>
    %get3A_34 = arith.constant 0 : index
    %get3A_35 = arith.constant 0 : index
    %get3A_36 = vector.load %arg12[%get3A_34, %get3A_35] : memref<4096x128xf32, #tpu.memory_space<vmem>>, vector<4096x128xf32>
    %convert_element_type3A_37 = arith.truncf %get3A_36 : vector<4096x128xf32> to vector<4096x128xbf16>
    %dot_general3A = arith.constant dense<0.000000e+00> : vector<256x128xf32>
    %dot_general3A_38 = tpu.matmul %convert_element_type3A_33, %convert_element_type3A_37, %dot_general3A {dimension_numbers = #tpu.dot_dimension_numbers<[1], [0], [0], [1], [0, 0, 1, 1], [], []>, transpose_lhs_hint = false} : vector<256x4096xbf16>, vector<4096x128xbf16>, vector<256x128xf32> -> vector<256x128xf32>
    %lt3A_39 = arith.constant 16 : i32
    %lt3A_40 = arith.cmpi slt, %arg0, %lt3A_39 : i32
    %convert_element_type3A_41 = arith.extui %lt3A_40 : i1 to i32
    %cond3A_42 = arith.constant 0 : i32
    %cond3A_43 = arith.cmpi ne, %convert_element_type3A_41, %cond3A_42 : i32
    scf.if %cond3A_43 {
      %swap3A = arith.constant 0 : index
      %swap3A_75 = arith.constant 0 : index
      %swap3A_76 = vector.load %arg9[%swap3A, %swap3A_75] : memref<256x4096xf32, #tpu.memory_space<vmem>>, vector<256x4096xf32>
      tpu.vector_store %arg9[%swap3A, %swap3A_75], %div3A_32 {strides = array<i32>} : memref<256x4096xf32, #tpu.memory_space<vmem>>, vector<256x4096xf32>,
      %gt3A_77 = arith.constant 0.000000e+00 : f32
      %gt3A_78 = vector.broadcast %gt3A_77 : f32 to vector<256x128xf32>
      %gt3A_79 = arith.cmpf ogt, %dot_general3A_38, %gt3A_78 : vector<256x128xf32>
      %exp3A_80 = math.exp %dot_general3A_38 : vector<256x128xf32>
      %sub3A_81 = arith.constant 1.000000e+00 : f32
      %sub3A_82 = vector.broadcast %sub3A_81 : f32 to vector<256x128xf32>
      %sub3A_83 = arith.subf %exp3A_80, %sub3A_82 : vector<256x128xf32>
      %select_n3A_84 = arith.select %gt3A_79, %dot_general3A_38, %sub3A_83 : vector<256x128xi1>, vector<256x128xf32>
      %mul3A_85 = arith.constant 256 : i32
      %mul3A_86 = arith.muli %arg0, %mul3A_85 : i32
      %swap3A_87 = arith.index_cast %mul3A_86 : i32 to index
      %swap3A_88 = arith.constant 0 : index
      %swap3A_89 = vector.load %arg15[%swap3A_87, %swap3A_88] : memref<4096x128xf32, #tpu.memory_space<vmem>>, vector<256x128xf32>
      tpu.vector_store %arg15[%swap3A_87, %swap3A_88], %select_n3A_84 {strides = array<i32>} : memref<4096x128xf32, #tpu.memory_space<vmem>>, vector<256x128xf32>,
    } else {
    }
    %ge3A_44 = arith.constant 16 : i32
    %ge3A_45 = arith.cmpi sge, %arg0, %ge3A_44 : i32
    %convert_element_type3A_46 = arith.extui %ge3A_45 : i1 to i32
    %cond3A_47 = arith.constant 0 : i32
    %cond3A_48 = arith.cmpi ne, %convert_element_type3A_46, %cond3A_47 : i32
    scf.if %cond3A_48 {
      %swap3A = arith.constant 0 : index
      %swap3A_75 = arith.constant 0 : index
      %swap3A_76 = vector.load %arg10[%swap3A, %swap3A_75] : memref<256x4096xf32, #tpu.memory_space<vmem>>, vector<256x4096xf32>
      tpu.vector_store %arg10[%swap3A, %swap3A_75], %div3A_32 {strides = array<i32>} : memref<256x4096xf32, #tpu.memory_space<vmem>>, vector<256x4096xf32>,
    } else {
    }
    %gt3A = arith.constant 0.000000e+00 : f32
    %gt3A_49 = vector.broadcast %gt3A : f32 to vector<256x128xf32>
    %gt3A_50 = arith.cmpf ogt, %dot_general3A_38, %gt3A_49 : vector<256x128xf32>
    %exp3A_51 = math.exp %dot_general3A_38 : vector<256x128xf32>
    %sub3A_52 = arith.constant 1.000000e+00 : f32
    %sub3A_53 = vector.broadcast %sub3A_52 : f32 to vector<256x128xf32>
    %sub3A_54 = arith.subf %exp3A_51, %sub3A_53 : vector<256x128xf32>
    %select_n3A_55 = arith.select %gt3A_50, %dot_general3A_38, %sub3A_54 : vector<256x128xi1>, vector<256x128xf32>
    %mul3A_56 = arith.constant 256 : i32
    %mul3A_57 = arith.muli %select_n3A, %mul3A_56 : i32
    %get3A_58 = arith.index_cast %mul3A_57 : i32 to index
    %get3A_59 = arith.constant 0 : index
    %get3A_60 = vector.load %arg15[%get3A_58, %get3A_59] : memref<4096x128xf32, #tpu.memory_space<vmem>>, vector<256x128xf32>
    %add3A_61 = arith.addf %select_n3A_55, %get3A_60 : vector<256x128xf32>
    %reduce_sum3A_62 = arith.constant dense<0.000000e+00> : vector<128xf32>
    %reduce_sum3A_63 = vector.multi_reduction <add>, %add3A_61, %reduce_sum3A_62 [0] : vector<256x128xf32> to vector<128xf32>
    %broadcast_in_dim3A_64 = vector.shape_cast %reduce_sum3A_63 : vector<128xf32> to vector<1x128xf32>
    %eq3A_65 = arith.constant 16 : i32
    %eq3A_66 = arith.cmpi eq, %arg0, %eq3A_65 : i32
    %convert_element_type3A_67 = arith.extui %eq3A_66 : i1 to i32
    %cond3A_68 = arith.constant 0 : i32
    %cond3A_69 = arith.cmpi ne, %convert_element_type3A_67, %cond3A_68 : i32
    scf.if %cond3A_69 {
      %swap3A = arith.constant 0 : index
      %swap3A_75 = arith.constant 0 : index
      %swap3A_76 = vector.load %arg11[%swap3A, %swap3A_75] : memref<1x128xf32, #tpu.memory_space<vmem>>, vector<1x128xf32>
      tpu.vector_store %arg11[%swap3A, %swap3A_75], %broadcast_in_dim3A_64 {strides = array<i32>} : memref<1x128xf32, #tpu.memory_space<vmem>>, vector<1x128xf32>,
    } else {
    }
    %gt3A_70 = arith.constant 16 : i32
    %gt3A_71 = arith.cmpi sgt, %arg0, %gt3A_70 : i32
    %convert_element_type3A_72 = arith.extui %gt3A_71 : i1 to i32
    %cond3A_73 = arith.constant 0 : i32
    %cond3A_74 = arith.cmpi ne, %convert_element_type3A_72, %cond3A_73 : i32
    scf.if %cond3A_74 {
      %get3A_75 = arith.constant 0 : index
      %get3A_76 = arith.constant 0 : index
      %get3A_77 = vector.load %arg11[%get3A_75, %get3A_76] : memref<1x128xf32, #tpu.memory_space<vmem>>, vector<1x128xf32>
      %add3A_78 = arith.addf %get3A_77, %broadcast_in_dim3A_64 : vector<1x128xf32>
      %swap3A = arith.constant 0 : index
      %swap3A_79 = arith.constant 0 : index
      %swap3A_80 = vector.load %arg11[%swap3A, %swap3A_79] : memref<1x128xf32, #tpu.memory_space<vmem>>, vector<1x128xf32>
      tpu.vector_store %arg11[%swap3A, %swap3A_79], %add3A_78 {strides = array<i32>} : memref<1x128xf32, #tpu.memory_space<vmem>>, vector<1x128xf32>,
    } else {
    }
    return
  }
  func.func @transform_0(%arg0: i32) -> (i32, i32) {
    %c0_i32 = arith.constant 0 : i32
    %c0_i32_0 = arith.constant 0 : i32
    %c0_i32_1 = arith.constant 0 : i32
    return %c0_i32, %c0_i32_0 : i32, i32
  }
  func.func @transform_1(%arg0: i32) -> (i32, i32) {
    %c0_i32 = arith.constant 0 : i32
    %c0_i32_0 = arith.constant 0 : i32
    %c0_i32_1 = arith.constant 0 : i32
    return %c0_i32, %c0_i32_0 : i32, i32
  }
  func.func @transform_2(%arg0: i32) -> (i32, i32) {
    %c0_i32 = arith.constant 0 : i32
    %c0_i32_0 = arith.constant 0 : i32
    %c0_i32_1 = arith.constant 0 : i32
    return %c0_i32, %c0_i32_0 : i32, i32
  }
  func.func @transform_3(%arg0: i32) -> (i32, i32) {
    %c0_i32 = arith.constant 0 : i32
    %c0_i32_0 = arith.constant 0 : i32
    %c0_i32_1 = arith.constant 0 : i32
    return %c0_i32, %c0_i32_0 : i32, i32
  }
  func.func @transform_4(%arg0: i32) -> (i32, i32) {
    %c0_i32 = arith.constant 0 : i32
    %c0_i32_0 = arith.constant 0 : i32
    %c0_i32_1 = arith.constant 0 : i32
    return %c0_i32, %c0_i32_0 : i32, i32
  }
  func.func @transform_5(%arg0: i32) -> (i32, i32) {
    %c0_i32 = arith.constant 0 : i32
    %c0_i32_0 = arith.constant 0 : i32
    %c0_i32_1 = arith.constant 0 : i32
    return %c0_i32, %c0_i32_0 : i32, i32
  }
  func.func @transform_6(%arg0: i32) -> (i32, i32) {
    %c0_i32 = arith.constant 0 : i32
    %c0_i32_0 = arith.constant 0 : i32
    %c0_i32_1 = arith.constant 0 : i32
    return %c0_i32, %c0_i32_0 : i32, i32
  }
  func.func @transform_7(%arg0: i32) -> (i32, i32) {
    %c0_i32 = arith.constant 0 : i32
    %c0_i32_0 = arith.constant 0 : i32
    return %arg0, %c0_i32 : i32, i32
  }
  func.func @transform_8(%arg0: i32) -> (i32, i32) {
    %min3A = arith.constant 15 : i32
    %min3A_0 = arith.minsi %arg0, %min3A : i32
    %c0_i32 = arith.constant 0 : i32
    %c0_i32_1 = arith.constant 0 : i32
    return %min3A_0, %c0_i32 : i32, i32
  }
  func.func @transform_9(%arg0: i32) -> (i32, i32) {
    %sub3A = arith.constant 16 : i32
    %sub3A_0 = arith.subi %arg0, %sub3A : i32
    %max3A = arith.constant 0 : i32
    %max3A_1 = arith.maxsi %sub3A_0, %max3A : i32
    %c0_i32 = arith.constant 0 : i32
    %c0_i32_2 = arith.constant 0 : i32
    return %max3A_1, %c0_i32 : i32, i32
  }
  func.func @transform_10(%arg0: i32) -> (i32, i32) {
    %c0_i32 = arith.constant 0 : i32
    %c0_i32_0 = arith.constant 0 : i32
    %c0_i32_1 = arith.constant 0 : i32
    return %c0_i32, %c0_i32_0 : i32, i32
  }
}

</mosaic_0001>

<sc_bundles>
// kernel: kernel.4.cloned.1.call-start
scs
__scs_entry_jumppad:
0x0: {  	(pc) =	sbr.rel $0x88, $3  }
0x1: {  	(tag) =	ssettag $0x0;
	lr =	simm.s32 $0x1  }
0x2: {  	[smem:$0x3F99] =	sst lr;
	_ =	strace $0xD0000000  }
0x3: {  	_ = 	snop  }
0x4: {  	_ = 	snop  }
0x5: {  	_ = 	snop  }
0x6: {  	_ = 	snop  }
0x7: {  	_ = 	snop  }
__scs_overlays_trampoline_lowered:
0x8: {  	[smem:$0x3FA8] =	sst s0  }
0x9: {  	[smem:$0x3FA9] =	sst s1  }
0xa: {  	[smem:$0x3FAA] =	sst s2  }
0xb: {  	[smem:$0x3FAB] =	sst s3  }
0xc: {  	[smem:$0x3FAC] =	sst s4  }
0xd: {  	[smem:$0x3FAD] =	sst s5  }
0xe: {  	[smem:$0x3FAE] =	sst s6  }
0xf: {  	[smem:$0x3FAF] =	sst s7  }
0x10: {  	[smem:$0x3FB0] =	sst s8  }
0x11: {  	[smem:$0x3FB1] =	sst s9;
	s0 =	simm.s32 @!p0 $0x0  }
0x12: {  	s1 =	sld [smem:$0x3F97];
	s0 =	simm.s32 @p0 $0x1  }
0x13: {  	[smem:$0x3FB2] =	sst s0;
	s0 =	simm.s32 @!p1 $0x0  }
0x14: {  	s2 =	sld [smem:$0x3F96];
	s0 =	simm.s32 @p1 $0x1  }
0x15: {  	[smem:$0x3FB3] =	sst s0;
	s0 =	simm.s32 @!p2 $0x0  }
0x16: {  	s3 =	sld [smem:$0x3FDB];
	s0 =	simm.s32 @p2 $0x1  }
0x17: {  	s4 =	simm.s32 $0x1BF5;
	[smem:$0x3FB5] =	sst s0  }
0x18: {  	s0 =	sld [smem:$0x3F98];
	_ =	swait.ge [sflag:s4], $0x0  }
0x19: {  	s7 =	sld [smem:$0x3F99]  }
0x1a: {  	s8 =	sadd.s32 $0xFFFFE003, lr  }
0x1b: {  	s9 =	sadd.s32 $0xFFFFFEF7, lr;
	s5 =	simm.s32 $0xFFFFFFFF;
	p2 =	slt.u32 s8, $0xFFFFF086  }
0x1c: {  	p1 =	slt.u32 s9, $0xF7A;
	s5 =	simm.s32 @!p2 $0x0  }
0x1d: {  	s5 =	simm.s32 @p1 $0x1;
	p0 =	seq.s32 s7, s2  }
0x1e: {  	s7 =	smul.u32 @!p0 $0xF7A, s2;
	p2 =	seq.s32 @!p0 s5, $0x0  }
0x1f: {  	s9 =	smul.u32 $0xF7A, s1;
	s8 =	simm.s32 @!p0 $0x1BF5;
	p2 =	por !p2, p0  }
0x20: {  	[sflag:s8] =	ssyncset.s32 @!p0 $0xFFFFF086;
	s6 =	sadd.s32 @!p0 s3, s7;
	s7 =	simm.s32 @!p0 $0x108  }
0x21: {  	s3 =	sadd.s32 s3, s9;
	s6 =	sadd.s32 @!p0 $0x88, s6;
	s7 =	simm.s32 @p2 $0x1082  }
0x22: {  	[simem:s7], [sflag:s8] =	dma.local @!p0 [hbm:s6], $0xF7A  }
0x23: {  	s9 =	sor.u32 $0xD0000000, s2;
	s6 =	simm.s32 $0x108;
	_ =	swait.ge @!p0 [sflag:s8], $0x0  }
0x24: {  	s3 =	sadd.s32 $0x88, s3;
	s6 =	simm.s32 @!p1 $0x1082;
	[sflag:s4] =	ssyncset.s32 $0xFFFFF086  }
0x25: {  	[simem:s6], [sflag:s4] =	dma.local [hbm:s3], $0xF7A  }
0x26: {  	[smem:$0x3F99] =	sst s1;
	(tag) =	ssettag s2;
	_ =	strace s9  }
0x27: {  	s1 =	sld [smem:$0x3FA9]  }
0x28: {  	s2 =	sld [smem:$0x3FAA]  }
0x29: {  	s4 =	sld [smem:$0x3FAC]  }
0x2a: {  	p0 =	seq.s32 s5, $0x0;
	s5 =	sld [smem:$0x3FAD]  }
0x2b: {  	s6 =	sld [smem:$0x3FAE]  }
0x2c: {  	s7 =	sld [smem:$0x3FAF]  }
0x2d: {  	s3 =	simm.s32 $0x108;
	s8 =	sld [smem:$0x3FB0]  }
0x2e: {  	s3 =	simm.s32 @!p0 $0x1082;
	s9 =	sld [smem:$0x3FB1]  }
0x2f: {  	lr =	sadd.s32 s0, s3;
	s0 =	sld [smem:$0x3FA8]  }
0x30: {  	s3 =	sld [smem:$0x3FAB]  }
0x31: {  	[smem:$0x3FB4] =	sst s10  }
0x32: {  	s10 =	sld [smem:$0x3FB2];
	_ =	sdelay $0x3  }
0x33: {  	p0 =	seq.s32 s10, $0x1;
	s10 =	sld [smem:$0x3FB4];
	_ =	sdelay $0x3  }
0x34: {  	[smem:$0x3FB4] =	sst s10  }
0x35: {  	s10 =	sld [smem:$0x3FB3];
	_ =	sdelay $0x3  }
0x36: {  	p1 =	seq.s32 s10, $0x1;
	s10 =	sld [smem:$0x3FB4];
	_ =	sdelay $0x3  }
0x37: {  	[smem:$0x3FB4] =	sst s10  }
0x38: {  	s10 =	sld [smem:$0x3FB5]  }
0x39: {  	_ = 	snop;
	(pc) =	sbr.ind lr, $3  }
0x3a: {  	_ = 	snop  }
0x3b: {  	_ = 	snop  }
0x3c: {  	p2 =	seq.s32 s10, $0x1;
	s10 =	sld [smem:$0x3FB4]  }
0x3d: {  	_ =	shalt  }
0x3e: {  	_ =	shalt  }
0x3f: {  	_ =	shalt  }
0x40: {  	_ =	shalt  }
0x41: {  	_ =	shalt  }
0x42: {  	_ =	shalt  }
0x43: {  	_ =	shalt  }
0x44: {  	_ =	shalt  }
0x45: {  	_ =	shalt  }
0x46: {  	_ =	shalt  }
0x47: {  	_ =	shalt  }
0x48: {  	_ =	shalt  }
0x49: {  	_ =	shalt  }
0x4a: {  	_ =	shalt  }
0x4b: {  	_ =	shalt  }
0x4c: {  	_ =	shalt  }
0x4d: {  	_ =	shalt  }
0x4e: {  	_ =	shalt  }
0x4f: {  	_ =	shalt  }
0x50: {  	_ =	shalt  }
0x51: {  	_ =	shalt  }
0x52: {  	_ =	shalt  }
0x53: {  	_ =	shalt  }
0x54: {  	_ =	shalt  }
0x55: {  	_ =	shalt  }
0x56: {  	_ =	shalt  }
0x57: {  	_ =	shalt  }
0x58: {  	_ =	shalt  }
0x59: {  	_ =	shalt  }
0x5a: {  	_ =	shalt  }
0x5b: {  	_ =	shalt  }
0x5c: {  	_ =	shalt  }
0x5d: {  	_ =	shalt  }
0x5e: {  	_ =	shalt  }
0x5f: {  	_ =	shalt  }
0x60: {  	_ =	shalt  }
0x61: {  	_ =	shalt  }
0x62: {  	_ =	shalt  }
0x63: {  	_ =	shalt  }
0x64: {  	_ =	shalt  }
0x65: {  	_ =	shalt  }
0x66: {  	_ =	shalt  }
0x67: {  	_ =	shalt  }
0x68: {  	_ =	shalt  }
0x69: {  	_ =	shalt  }
0x6a: {  	_ =	shalt  }
0x6b: {  	_ =	shalt  }
0x6c: {  	_ =	shalt  }
0x6d: {  	_ =	shalt  }
0x6e: {  	_ =	shalt  }
0x6f: {  	_ =	shalt  }
0x70: {  	_ =	shalt  }
0x71: {  	_ =	shalt  }
0x72: {  	_ =	shalt  }
0x73: {  	_ =	shalt  }
0x74: {  	_ =	shalt  }
0x75: {  	_ =	shalt  }
0x76: {  	_ =	shalt  }
0x77: {  	_ =	shalt  }
0x78: {  	_ =	shalt  }
0x79: {  	_ =	shalt  }
0x7a: {  	_ =	shalt  }
0x7b: {  	_ =	shalt  }
0x7c: {  	_ =	shalt  }
0x7d: {  	_ =	shalt  }
0x7e: {  	_ =	shalt  }
0x7f: {  	_ =	shalt  }
0x80: {  	_ =	shalt  }
0x81: {  	_ =	shalt  }
0x82: {  	_ =	shalt  }
0x83: {  	_ =	shalt  }
0x84: {  	_ =	shalt  }
0x85: {  	_ =	shalt  }
0x86: {  	_ =	shalt  }
0x87: {  	_ =	shalt  }
.Lfunc_end0:
.L_simem_size_0:
called_computation_lowered:
.L_overlay_start_0:
0x88: {  	s2 =	sld [smem:$0x3FD9]  }
0x89: {  	s3 =	sld [smem:$0x3FFE];
	_ =	sdelay $0x1  }
0x8a: {  	s1 =	srdreg.scid  }
0x8b: {  	s0 =	sand.u32 $0x1, s1  }
0x8c: {  	s15 =	sshll.u32 s0, $0xA;
	s2 =	sadd.s32 s3, s2  }
0x8d: {  	s2 =	sadd.s32 s2, s15  }
0x8e: {  	[smem:$0x3FC0] =	sst s2  }
0x8f: {  	_ = 	snop  }
0x90: {  	s2 =	sld [smem:$0x3FD0];
	_ =	sdelay $0x1  }
0x91: {  	s16 =	sld [smem:$0x3FC9]  }
0x92: {  	s5 =	simm.s32 $0xA;
	s6 =	simm.s32 $0x10;
	s4 =	sld [smem:$0x3FC6]  }
0x93: {  	[smem:s6], [sflag:s5] =	dma.local [hbm:s2], $0x1  }
0x94: {  	_ =	swait.eq [sflag:s5], $0x1  }
0x95: {  	[sflag:s5] =	ssyncset.done $0x0  }
0x96: {  	[sflag:s5] =	ssyncadd.s32 $0xFFFFFFFF  }
0x97: {  	s17 =	sld [smem:$0x12];
	(tm) =	ssettm $0x1  }
0x98: {  	s18 =	sld [smem:$0x3FFB];
	_ =	sdelay $0x3  }
0x99: {  	_ =	strace s18  }
0x9a: {  	s5 =	sld [smem:$0x3FFC];
	_ =	sdelay $0x3  }
0x9b: {  	_ =	strace s5  }
0x9c: {  	s5 =	sld [smem:$0x3FFD];
	_ =	sdelay $0x3  }
0x9d: {  	_ =	strace s5  }
0x9e: {  	_ =	strace $0x8FFFFFFF  }
0x9f: {  	s19 =	sld [smem:$0x3FDB];
	_ =	sdelay $0x1  }
0xa0: {  	s20 =	simm.s32 $_scs_section_size  }
0xa1: {  	s7 =	simm.s32 $_size__tile_overlayer_lowered;
	s8 =	simm.s32 $_tile_overlayer_lowered  }
0xa2: {  	s23 =	simm.s32 $0x1BFF;
	s22 =	sshll.u32 s8, $0x1;
	s5 =	sadd.s32 s20, s19  }
0xa3: {  	s9 =	simm.s32 $0x0;
	s21 =	sshll.u32 s7, $0x1;
	s7 =	sadd.s32 s22, s5  }
0xa4: {  	[timem:s9], [sflag:s23] =	dma.local [hbm:s7], s21  }
0xa5: {  	_ =	swait.ge [sflag:s23], s21  }
0xa6: {  	s6 =	ssub.s32 $0x0, s21;
	[sflag:s23] =	ssyncset.done $0x0  }
0xa7: {  	[sflag:s23] =	ssyncadd.s32 s6;
	_ =	sdelay $0x1  }
0xa8: {  	s24 =	simm.s32 $0x1B8B  }
0xa9: {  	_ =	swait.ge [sflag:s24], $0x1  }
0xaa: {  	[sflag:s24] =	ssyncset.done $0x0  }
0xab: {  	s25 =	simm.s32 $0x1B8E;
	[sflag:s24] =	ssyncadd.s32 $0xFFFFFFFF  }
0xac: {  	s26 =	simm.s32 $execute0_lowered;
	[smem:$0x3FD2] =	sst s25  }
0xad: {  	s6 =	sshll.u32 s26, $0x1;
	_ =	strace $0x80000046;
	[dreg:$0x1] =	wrdreg $0xFFFFFFFF  }
0xae: {  	s28 =	simm.s32 $_size_execute0_lowered;
	s5 =	sadd.s32 s5, s6;
	[dreg:$0x0] =	wrdreg $0x0  }
0xaf: {  	s6 =	sshll.u32 s28, $0x1;
	[dreg:$0x2] =	wrdreg s5  }
0xb0: {  	[dreg:$0x3] =	wrdreg s6  }
0xb1: {  	[dreg:$0x4] =	wrdreg $0xC0  }
0xb2: {  	_ =	task [dreg:s9], $0x5FFFF  }
0xb3: {  	[dreg:$0x1] =	wrdreg $0xFFFFFFFF  }
0xb4: {  	[dreg:$0x0] =	wrdreg $0x60  }
0xb5: {  	[dreg:$0x2] =	wrdreg s16  }
0xb6: {  	[dreg:$0x3] =	wrdreg s4  }
0xb7: {  	[dreg:$0x4] =	wrdreg s17  }
0xb8: {  	[dreg:$0x5] =	wrdreg $0x9  }
0xb9: {  	_ =	task.clear_ibuf [dreg:s9], $0x6FFFF;
	_ =	strace $0x90000046  }
0xba: {  	s29 =	simm.s32 $0x9;
	_ =	strace $0x80000048  }
0xbb: {  	_ =	swait.ge [sflag:s29], $0x1  }
0xbc: {  	[sflag:s29] =	ssyncadd.s32 $0xFFFFFFFF  }
0xbd: {  	_ =	strace $0x90000048  }
0xbe: {  	_ =	sfence  }
0xbf: {  	s30 =	sld [smem:$0x0];
	_ =	sdelay $0x2  }
0xc0: {  	s31 =	sshll.u32 s1, $0xD;
	s1 =	sshrl.u32 s1, $0x2  }
0xc1: {  	s3 =	sand.u32 $0x4000, s31;
	s1 =	sadd.s32 s1, s30  }
0xc2: {  	s0 =	sor.u32 s3, s0;
	s1 =	sshll.u32 s1, $0x11  }
0xc3: {  	s0 =	sor.u32 s1, s0  }
0xc4: {  	s0 =	sadd.s32 $0x8F2B, s0  }
0xc5: {  	[sflag:s0] =	ssyncadd.remote.s32 $0x1  }
0xc6: {  	_ =	sfence.sel $0xFFFF  }
0xc7: {  	[dreg:$0x0] =	wrdreg $0xFFFFFFFF;
	(pc) =	sbr.abs _section_cstart, $3  }
0xc8: {  	[dreg:$0x1] =	wrdreg $0xFFFFFFFF  }
0xc9: {  	_ =	task.clear_ibuf [dreg:s9], $0x2FFFF;
	_ =	strace $0x9FFFFFFF  }
0xca: {  	(tm) =	ssettm $0x7FFFFFFF  }
0xcb: {  	_ =	shalt  }
tec
execute0_lowered:
.L_overlay_start_1:
0x0: {  	(tag) =	ssettag $0x1  }
0x1: {  	s4 =	rddreg [dreg:$0x0]  }
0x2: {  	s1 =	srdreg.scid;
	s2 =	rddreg [dreg:$0x1]  }
0x3: {  	s0 =	stileid.u32;
	s8 =	rddreg [dreg:$0x2];
	s6 =	sand.u32 $0x1, s1  }
0x4: {  	s3 =	simm.s32 $0x0;
	s5 =	sshll.u32 s0, $0x8;
	s7 =	sshll.u32 s6, $0x7  }
0x5: {  	[smem:$0x7FF] =	sst s3;
	s9 =	sor.u32 s7, s5  }
0x6: {  	s1 =	rddreg [dreg:$0x3];
	_ =	strace $0x80000047;
	s5 =	sshrl.u32 s9, $0x3  }
0x7: {  	s10 =	ssub.s32 $0x2, s6;
	s5 =	sadd.s32 s4, s5;
	s4 =	simm.s32 $0x2  }
0x8: {  	[tilespmem:s3], [sflag:$0x2] =	stream.linear.gather [hbm4b:s5+s3], $0x80, $0x38;
	[tilespmem:$0x4080] =	vst v63  }
0x9: {  	s11 =	sshrl.u32 s10, $0x1;
	_ =	swait.ge [sflag:s4], $0x80  }
0xa: {  	s6 =	simm.s32 $0x80;
	s10 =	ssub.s32 s10, s11;
	[sflag:s4] =	ssyncset.done $0x0  }
0xb: {  	s7 =	simm.s32 $0x1;
	s31 =	smax.u32 s10, $0x1;
	[sflag:s4] =	ssyncadd.s32 $0xFFFFFF80  }
0xc: {  	[tilespmem:s6], [sflag:$0x1] =	stream.indirect.gather [hbm4b:s2+s6], $0x80, s3, s6, $0xb8;
	[tilespmem:$0x4080] =	vst v63  }
0xd: {  	p0 =	sne.s32 s31, $0x1;
	_ =	swait.ge [sflag:s7], $0x4000  }
.Ltmp0:
0xe: {  	s9 =	sshll.u32 s9, $0x4;
	[sflag:s7] =	ssyncset.done $0x0;
	(pc) =	sbr.rel @!p0 .LBB2_2-.Ltmp0, $4  }
0xf: {  	s8 =	sadd.s32 s8, s9;
	[sflag:s7] =	ssyncadd.s32 $0xFFFFC000  }
0x10: {  	[hbm4b:s8+s3] =	stream.linear.scatter [tilespmem:s6], [sflag:$0x2], $0x4000, $0x38;
	[tilespmem:$0x4080] =	vst v63  }
0x11: {  	_ =	swait.ge [sflag:s4], $0x4000  }
0x12: {  	s9 =	sadd.s32 $0xFFFFFFFF, s31;
	[sflag:s4] =	ssyncset.done $0x0  }
.LBB2_1:
0x13: {  	p0 =	sne.s32 s9, $0x1;
	s9 =	sadd.s32 $0xFFFFFFFF, s9;
	[sflag:s4] =	ssyncadd.s32 $0xFFFFC000  }
0x14: {  	[tilespmem:s3], [sflag:$0x2] =	stream.linear.gather [hbm4b:s5+s3], $0x80, $0x38;
	[tilespmem:$0x4080] =	vst v63  }
0x15: {  	_ =	swait.ge [sflag:s4], $0x80  }
0x16: {  	[sflag:s4] =	ssyncset.done $0x0  }
0x17: {  	[sflag:s4] =	ssyncadd.s32 $0xFFFFFF80  }
0x18: {  	[tilespmem:s6], [sflag:$0x1] =	stream.indirect.gather [hbm4b:s2+s6], $0x80, s3, s6, $0xb8;
	[tilespmem:$0x4080] =	vst v63  }
0x19: {  	_ =	swait.ge [sflag:s7], $0x4000  }
.Ltmp1:
0x1a: {  	[sflag:s7] =	ssyncset.done $0x0;
	(pc) =	sbr.rel @p0 .LBB2_1-.Ltmp1, $4  }
0x1b: {  	[sflag:s7] =	ssyncadd.s32 $0xFFFFC000  }
0x1c: {  	[hbm4b:s8+s3] =	stream.linear.scatter [tilespmem:s6], [sflag:$0x2], $0x4000, $0x38;
	[tilespmem:$0x4080] =	vst v63  }
0x1d: {  	_ =	swait.ge [sflag:s4], $0x4000  }
0x1e: {  	[sflag:s4] =	ssyncset.done $0x0  }
.LBB2_2:
0x1f: {  	[sflag:s4] =	ssyncadd.s32 $0xFFFFC000  }
0x20: {  	_ =	sfence.sel $0x180000  }
0x21: {  	[bflag:$0x0] =	sbarrier.arrive $0xFFFF  }
0x22: {  	p0 =	sne.s32 s0, $0x0;
	_ =	strace $0x90000047  }
0x23: {  	s0 =	sadd.s32 @!p0 $0x100000, s1;
	[bflag:$0x2] =	sbarrier.arrive $0xFFFF  }
0x24: {  	[sflag:s0] =	ssyncadd.tile.s32 @!p0 $0x1;
	_ =	shalt  }
.Lfunc_end2:
_tile_overlayer_lowered:
.L_overlay_start_2:
0x25: {  	(tag) =	ssettag $0x2  }
0x26: {  	s0 =	rddreg [dreg:$0x0];
	s2 =	stileid.u32  }
0x27: {  	s1 =	rddreg [dreg:$0x1];
	p0 =	sne.s32 s2, $0x0  }
0x28: {  	s3 =	rddreg [dreg:$0x2];
	[bflag:$0x3] =	sbarrier.arrive $0xFFFF;
	s2 =	simm.s32 @!p0 $0x1C02  }
0x29: {  	[timem:s3], [sflag:s2] =	dma.local @!p0 [hbm:s0], s1  }
0x2a: {  	s0 =	simm.s32 @!p0 $0x2  }
0x2b: {  	_ =	swait.ge @!p0 [sflag:s0], s1  }
0x2c: {  	s1 =	ssub.s32 @!p0 $0x0, s1;
	[sflag:s0] =	ssyncset.done @!p0 $0x0  }
0x2d: {  	[sflag:s0] =	ssyncadd.s32 @!p0 s1  }
0x2e: {  	[bflag:$0x3] =	sbarrier.arrive $0xFFFF  }
0x2f: {  	_ =	shalt  }

</sc_bundles>
